<compile_context>
chip_gen: v7x
topology: tpu7x:2x2x1
jax: 0.10.2.dev20260603
libtpu: 0.0.44.dev20260713+nightly
codegen_flags: <defaults>
</compile_context>

<pallas_src>
import dataclasses

import jax
import jax.numpy as jnp
from jax import lax
from jax.experimental import pallas as pl
from jax.experimental.pallas import tpu as pltpu
from jax.experimental.pallas import tpu_sc as plsc

B, V, E, FIN, FOUT, K = 2, 10000, 160000, 128, 128, 5

NC, NS = 2, 16
NW = NC * NS
VH = V // 2
NVP = B * V
EPS = E // NW
EPAD = 8
EPS_P = EPS + EPAD
CAP = 2752
G = 64
PG = 2 * G
SEGS = 2
EFT = SEGS * CAP
NCH_E = EFT // G
RB = 80
LANES = 16
BSTR = CAP + G + LANES
FC = FIN // LANES
EG = G // LANES


def _sc_compiler_params():
    cp = pltpu.CompilerParams()
    if "needs_layout_passes" in pltpu.CompilerParams.__dataclass_fields__:
        cp = dataclasses.replace(cp, needs_layout_passes=False)
    return cp




def _sc_bin_body(rows_hbm, cols_hbm, vals_hbm, brow_hbm, bcol_hbm, bval_hbm,
                 rloc, cloc, vloc, br, bc, bv):
    c = lax.axis_index("c")
    s = lax.axis_index("s")
    w = c * NS + s

    pltpu.sync_copy(rows_hbm.at[w], rloc)
    pltpu.sync_copy(cols_hbm.at[w], cloc)
    pltpu.sync_copy(vals_hbm.at[w], vloc)

    i16 = lax.iota(jnp.int32, LANES)
    zf = jnp.zeros((LANES,), jnp.float32)

    @pl.loop(0, (CAP + G) // LANES)
    def _(j):
        spread_r = (j * LANES + i16) & 2047
        spread_c = (j * LANES + i16) & 8191
        for h in range(2):
            sl = pl.ds(h * BSTR + j * LANES, LANES)
            br[sl] = spread_r
            bc[sl] = spread_c
            bv[sl] = zf

    @pl.loop(0, EPS_P // LANES, init_carry=(jnp.int32(0), jnp.int32(0)))
    def _(j, carry):
        n0, n1 = carry
        sl = pl.ds(j * LANES, LANES)
        rv = rloc[sl]
        cv = cloc[sl]
        vv = vloc[sl]
        m1 = rv >= VH
        m0 = jnp.logical_not(m1)
        cnt0 = plsc.all_reduce_population_count(m0)[0]
        plsc.store_compressed(br.at[pl.ds(n0, LANES)], rv, mask=m0)
        plsc.store_compressed(bc.at[pl.ds(n0, LANES)], cv, mask=m0)
        plsc.store_compressed(bv.at[pl.ds(n0, LANES)], vv, mask=m0)
        plsc.store_compressed(br.at[pl.ds(BSTR + n1, LANES)], rv - VH, mask=m1)
        plsc.store_compressed(bc.at[pl.ds(BSTR + n1, LANES)], cv, mask=m1)
        plsc.store_compressed(bv.at[pl.ds(BSTR + n1, LANES)], vv, mask=m1)
        return n0 + cnt0, n1 + (LANES - cnt0)

    for h in range(2):
        seg = h * NW + w
        pltpu.sync_copy(br.at[pl.ds(h * BSTR, CAP)],
                        brow_hbm.at[pl.ds(seg * CAP, CAP)])
        pltpu.sync_copy(bc.at[pl.ds(h * BSTR, CAP)],
                        bcol_hbm.at[pl.ds(seg * CAP, CAP)])
        pltpu.sync_copy(bv.at[pl.ds(h * BSTR, CAP)],
                        bval_hbm.at[pl.ds(seg * CAP, CAP)])


@jax.jit
def _sc_bin(rows2, cols2, vals2):
    kern = pl.kernel(
        _sc_bin_body,
        compiler_params=_sc_compiler_params(),
        out_type=(
            jax.ShapeDtypeStruct((2 * NW * CAP,), jnp.int32),
            jax.ShapeDtypeStruct((2 * NW * CAP,), jnp.int32),
            jax.ShapeDtypeStruct((2 * NW * CAP,), jnp.float32),
        ),
        mesh=plsc.VectorSubcoreMesh(core_axis_name="c", subcore_axis_name="s"),
        scratch_types=[
            pltpu.VMEM((EPS_P,), jnp.int32),
            pltpu.VMEM((EPS_P,), jnp.int32),
            pltpu.VMEM((EPS_P,), jnp.float32),
            pltpu.VMEM((2 * BSTR,), jnp.int32),
            pltpu.VMEM((2 * BSTR,), jnp.int32),
            pltpu.VMEM((2 * BSTR,), jnp.float32),
        ],
    )
    return kern(rows2, cols2, vals2)




def _sc_cheb_body(x0_hbm, brow_hbm, bcol_hbm, bval_hbm, chain_hbm,
                  accum, colv, rowv, valv, cb0, cb1, rb0, rb1, stag0, stag1,
                  sg0, sg1, ss0, ss1):
    c = lax.axis_index("c")
    s = lax.axis_index("s")
    w = c * NS + s
    for i in range(SEGS):
        seg = c * NW + i * NS + s
        srcsl = pl.ds(seg * CAP, CAP)
        dst = pl.ds(i * CAP, CAP)
        pltpu.sync_copy(bcol_hbm.at[srcsl], colv.at[dst])
        pltpu.sync_copy(brow_hbm.at[srcsl], rowv.at[dst])
        pltpu.sync_copy(bval_hbm.at[srcsl], valv.at[dst])

    @pl.loop(0, EFT // LANES)
    def _(j):
        sl = pl.ds(j * LANES, LANES)
        colv[sl] = colv[sl] * 2
        rowv[sl] = rowv[sl] * 2

    @pl.loop(w, NVP // RB, step=NW)
    def _(j):
        r0 = j * RB
        sl = pl.ds(0, RB)
        pltpu.sync_copy(x0_hbm.at[pl.ds(r0, RB)], stag0.at[sl])
        pltpu.sync_copy(stag0.at[sl], chain_hbm.at[pl.ds(r0, RB)])

    plsc.subcore_barrier()

    stags = (stag0, stag1)
    cbs = (cb0, cb1)
    rbs = (rb0, rb1)
    sgs = (sg0, sg1)
    sss = (ss0, ss1)

    def fill_idx(ci, b, src, bufs):
        for t in range(EG):
            vv = src[pl.ds(ci * G + t * LANES, LANES)]
            bufs[b][pl.ds(t * LANES, LANES)] = vv
            bufs[b][pl.ds(G + t * LANES, LANES)] = vv + 1

    def issue_gather(ci, b):
        pltpu.async_copy(chain_hbm.at[cbs[b]], stags[b], sgs[b])

    def wait_gather(ci, b):
        pltpu.make_async_copy(chain_hbm.at[cbs[b]], stags[b], sgs[b]).wait()

    def scale(ci, b):
        st = stags[b]

        @pl.loop(0, EG)
        def _(t):
            vv = valv[pl.ds(ci * G + t * LANES, LANES)]
            for i in range(LANES):
                e = t * LANES + i
                vs = vv[i]
                for f in range(FC):
                    sl = pl.ds(f * LANES, LANES)
                    st[e, sl] = st[e, sl] * vs
                    st[G + e, sl] = st[G + e, sl] * vs

    def issue_scatter(ci, b):
        pltpu.async_copy(stags[b], accum.at[rbs[b]], sss[b], add=True)

    def wait_scatter(b):
        pltpu.make_async_copy(stags[b], accum.at[rbs[b]], sss[b]).wait()

    def process(ci, b, issue_next, wait_prev):
        wait_gather(ci, b)
        if issue_next:
            if wait_prev:
                wait_scatter(1 - b)
            fill_idx(ci + 1, 1 - b, colv, cbs)
            issue_gather(ci + 1, 1 - b)
        scale(ci, b)
        fill_idx(ci, b, rowv, rbs)
        issue_scatter(ci, b)

    @pl.loop(1, K)
    def _(k):
        @pl.when(k >= 2)
        def _():
            @pl.loop(0, EFT // LANES)
            def _(j):
                sl = pl.ds(j * LANES, LANES)
                colv[sl] = colv[sl] + NVP

            @pl.when(k == 2)
            def _():
                @pl.loop(0, EFT // LANES)
                def _(j):
                    sl = pl.ds(j * LANES, LANES)
                    valv[sl] = valv[sl] * 2.0

        @pl.loop(0, RB)
        def _(r):
            for t in range(FC):
                stag0[r, pl.ds(t * LANES, LANES)] = jnp.zeros(
                    (LANES,), jnp.float32)

        @pl.loop(s, V // RB, step=NS)
        def _(j):
            pltpu.sync_copy(stag0.at[pl.ds(0, RB)],
                            accum.at[pl.ds(j * RB, RB)])

        plsc.subcore_barrier()

        fill_idx(0, 0, colv, cbs)
        issue_gather(0, 0)
        process(0, 0, True, False)
        process(1, 1, True, True)

        @pl.loop(0, (NCH_E - 4) // 2)
        def _(t):
            ci = 2 + 2 * t
            process(ci, 0, True, True)
            process(ci + 1, 1, True, True)

        process(NCH_E - 2, 0, True, True)
        process(NCH_E - 1, 1, False, False)
        wait_scatter(0)
        wait_scatter(1)

        plsc.subcore_barrier()

        @pl.loop(s, V // RB, step=NS)
        def _(j):
            r0 = j * RB
            base = c * V + r0
            sl = pl.ds(0, RB)
            pltpu.sync_copy(accum.at[pl.ds(r0, RB)], stag0.at[sl])

            @pl.when(k >= 2)
            def _():
                pltpu.sync_copy(
                    chain_hbm.at[pl.ds((k - 2) * NVP + base, RB)],
                    stag1.at[sl])

                @pl.loop(0, RB)
                def _(r):
                    for t in range(FC):
                        fsl = pl.ds(t * LANES, LANES)
                        stag0[r, fsl] = stag0[r, fsl] - stag1[r, fsl]

            pltpu.sync_copy(stag0.at[sl],
                            chain_hbm.at[pl.ds(k * NVP + base, RB)])

        plsc.subcore_barrier()


@jax.jit
def _sc_cheb(x0, brow, bcol, bval):
    kern = pl.kernel(
        _sc_cheb_body,
        compiler_params=_sc_compiler_params(),
        out_type=jax.ShapeDtypeStruct((K * NVP, FIN), jnp.float32),
        mesh=plsc.VectorSubcoreMesh(core_axis_name="c", subcore_axis_name="s"),
        scratch_types=[
            pltpu.VMEM_SHARED((V, FIN), jnp.float32),
            pltpu.VMEM((EFT,), jnp.int32),
            pltpu.VMEM((EFT,), jnp.int32),
            pltpu.VMEM((EFT,), jnp.float32),
            pltpu.VMEM((PG,), jnp.int32),
            pltpu.VMEM((PG,), jnp.int32),
            pltpu.VMEM((PG,), jnp.int32),
            pltpu.VMEM((PG,), jnp.int32),
            pltpu.VMEM((PG, FIN), jnp.float32),
            pltpu.VMEM((PG, FIN), jnp.float32),
            pltpu.SemaphoreType.DMA,
            pltpu.SemaphoreType.DMA,
            pltpu.SemaphoreType.DMA,
            pltpu.SemaphoreType.DMA,
        ],
    )
    return kern(x0, brow, bcol, bval)



RBLK = 400


def _tc_dense_body(chain_ref, w_ref, bias_ref, out_ref):
    for b in range(B):
        acc = jax.lax.dot_general(
            chain_ref[0][:, b, :], w_ref[0],
            (((1,), (0,)), ((), ())), preferred_element_type=jnp.float32)
        for k in range(1, K):
            acc += jax.lax.dot_general(
                chain_ref[k][:, b, :], w_ref[k],
                (((1,), (0,)), ((), ())), preferred_element_type=jnp.float32)
        out_ref[b] = acc + bias_ref[...]


@jax.jit
def _tc_dense(chain, wp, bias2d):
    chain4 = chain.reshape(K, V, B, FIN)
    grid = (V // RBLK,)
    return pl.pallas_call(
        _tc_dense_body,
        grid=grid,
        in_specs=[
            pl.BlockSpec((K, RBLK, B, FIN), lambda i: (0, i, 0, 0)),
            pl.BlockSpec((K, FIN, FOUT), lambda i: (0, 0, 0)),
            pl.BlockSpec((1, FOUT), lambda i: (0, 0)),
        ],
        out_specs=pl.BlockSpec((B, RBLK, FOUT), lambda i: (0, i, 0)),
        out_shape=jax.ShapeDtypeStruct((B, V, FOUT), jnp.float32),
    )(chain4, wp, bias2d)


def kernel(laplacian_indices, laplacian_values, inputs, weight, bias):
    rows2 = laplacian_indices[0].reshape(NW, EPS)
    cols2 = laplacian_indices[1].reshape(NW, EPS)
    vals2 = laplacian_values.reshape(NW, EPS)
    spread = (jnp.arange(EPAD // 2, dtype=jnp.int32) * 167) % VH
    padr = jnp.broadcast_to(
        jnp.concatenate([spread, VH + spread]), (NW, EPAD))
    padc = jnp.broadcast_to(
        (jnp.arange(EPAD, dtype=jnp.int32) * 331) % V, (NW, EPAD))
    rows2 = jnp.concatenate([rows2, padr], axis=1)
    cols2 = jnp.concatenate([cols2, padc], axis=1)
    vals2 = jnp.concatenate([vals2, jnp.zeros((NW, EPAD), jnp.float32)],
                            axis=1)

    x0 = jnp.transpose(inputs, (1, 0, 2)).reshape(NVP, FIN)
    brow, bcol, bval = _sc_bin(rows2, cols2, vals2)
    chain = _sc_cheb(x0, brow, bcol, bval)
    wp = weight.reshape(K * FIN, FOUT).reshape(FIN, K, FOUT).transpose(1, 0, 2)
    return _tc_dense(chain, wp, bias2d=bias.reshape(1, FOUT))

# --- scband reference (transcript-rebuilt; emitter-appended) ---
"""Pipeline reference for scband-cheb-conv-19172734009347 (READ-ONLY COPY).

The authoritative reference and input builder live on the scoring server;
editing this copy changes nothing except your own understanding.
"""

import jax, jax.numpy as jnp
import numpy as np

B, V, E, FIN, FOUT, K = 2, 10000, 160000, 128, 128, 5


def spmm(indices, values, X, n_rows):
    rows = indices[0]
    cols = indices[1]
    gathered = X[cols] * values[:, None]
    return jax.ops.segment_sum(gathered, rows, num_segments=n_rows)


def setup_inputs(seed: int = 0):
    key = jax.random.key(seed)
    k1, k2, k3, k4 = jax.random.split(key, 4)
    inputs = jax.random.normal(k1, (B, V, FIN), dtype=jnp.float32)
    laplacian_indices = jax.random.randint(k2, (2, E), 0, V, dtype=jnp.int32)
    laplacian_values = jax.random.normal(k3, (E,), dtype=jnp.float32) * (1.0 / 16.0)
    std = float(np.sqrt(2.0 / (FIN + FOUT)))
    weight = jax.random.normal(k4, (K, FIN, FOUT), dtype=jnp.float32) * std
    bias = jnp.full((FOUT,), 0.01, dtype=jnp.float32)
    return {"laplacian_indices": laplacian_indices, "laplacian_values": laplacian_values,
            "inputs": inputs, "weight": weight, "bias": bias}


def reference(laplacian_indices, laplacian_values, inputs, weight, bias):
    Bb, Vv, Fin = inputs.shape
    Kk, _, Fout = weight.shape
    x0 = jnp.transpose(inputs, (1, 2, 0)).reshape(Vv, Fin * Bb)
    basis = [x0]
    if Kk > 1:
        basis.append(spmm(laplacian_indices, laplacian_values, basis[0], Vv))
        for i in range(2, Kk):
            basis.append(2.0 * spmm(laplacian_indices, laplacian_values, basis[i - 1], Vv) - basis[i - 2])
    cheb = jnp.stack(basis, axis=0)  # [K, V, Fin*B]
    x = cheb.reshape(Kk, Vv, Fin, Bb)
    x = jnp.transpose(x, (3, 1, 2, 0)).reshape(Bb * Vv, Fin * Kk)
    w = weight.reshape(Fin * Kk, Fout)
    out = x @ w
    out = out.reshape(Bb, Vv, Fout)
    out = out + bias
    return out


if False:  # reference __main__ guard neutralized (emitter)
    inp = setup_inputs()
    o = reference(**inp)
    print(o.shape)

if __name__ == "__main__":
    import jax
    _d = setup_inputs()
    print(jax.jit(kernel)(*tuple(_d.values())))

</pallas_src>

<mosaic_0001>
#map = affine_map<(d0, d1) -> (0, 0)>
#map1 = affine_map<(d0, d1) -> (0)>
module attributes {stable_mosaic.version = 14 : i64} {
  func.func @_sc_bin_body(%arg0: i32, %arg1: i32, %arg2: memref<32x5008xi32, #tpu.memory_space<hbm>>, %arg3: memref<32x5008xi32, #tpu.memory_space<hbm>>, %arg4: memref<32x5008xf32, #tpu.memory_space<hbm>>, %arg5: memref<176128xi32, #tpu.memory_space<hbm>>, %arg6: memref<176128xi32, #tpu.memory_space<hbm>>, %arg7: memref<176128xf32, #tpu.memory_space<hbm>>, %arg8: memref<5008xi32, #tpu.memory_space<vmem>>, %arg9: memref<5008xi32, #tpu.memory_space<vmem>>, %arg10: memref<5008xf32, #tpu.memory_space<vmem>>, %arg11: memref<5664xi32, #tpu.memory_space<vmem>>, %arg12: memref<5664xi32, #tpu.memory_space<vmem>>, %arg13: memref<5664xf32, #tpu.memory_space<vmem>>) attributes {dimension_semantics = [#tpu.dimension_semantics<core_parallel>, #tpu.dimension_semantics<subcore_parallel>], iteration_bounds = array<i64: 2, 16>, scalar_prefetch = 0 : i64, scratch_operands = 6 : i64, tpu.core_type = #tpu.core_type<sc_vector_subcore>, window_params = [{transform_indices = #map}, {transform_indices = #map}, {transform_indices = #map}, {transform_indices = #map1}, {transform_indices = #map1}, {transform_indices = #map1}]} {
    %mul3A = arith.constant 16 : i32
    %mul3A_0 = arith.muli %arg0, %mul3A : i32
    %add3A = arith.addi %mul3A_0, %arg1 : i32
    "tpu.region"() ({
      %run_scoped3A = tpu.sem_alloc : memref<!tpu.dma_semaphore, #tpu.memory_space<semaphore_mem>>
      %dma_start3A = arith.constant 0 : i32
      %dma_start3A_30 = tpu.memref_slice %arg2[%add3A, %dma_start3A] : memref<32x5008xi32, #tpu.memory_space<hbm>> -> memref<1x5008xi32, #tpu.memory_space<hbm>>
      %dma_start3A_31 = tpu.memref_squeeze %dma_start3A_30 : memref<1x5008xi32, #tpu.memory_space<hbm>> -> memref<5008xi32, #tpu.memory_space<hbm>>
      %dma_start3A_32 = arith.constant 0 : i32
      %dma_start3A_33 = tpu.memref_slice %arg2[%add3A, %dma_start3A_32] : memref<32x5008xi32, #tpu.memory_space<hbm>> -> memref<1x5008xi32, #tpu.memory_space<hbm>>
      %dma_start3A_34 = tpu.memref_squeeze %dma_start3A_33 : memref<1x5008xi32, #tpu.memory_space<hbm>> -> memref<5008xi32, #tpu.memory_space<hbm>>
      tpu.enqueue_dma source(%dma_start3A_34 : memref<5008xi32, #tpu.memory_space<hbm>>) target(%arg8 : memref<5008xi32, #tpu.memory_space<vmem>>) target_semaphore(%run_scoped3A : memref<!tpu.dma_semaphore, #tpu.memory_space<semaphore_mem>>)
      %dma_wait3A = arith.constant 0 : i32
      %dma_wait3A_35 = tpu.memref_slice %arg2[%add3A, %dma_wait3A] : memref<32x5008xi32, #tpu.memory_space<hbm>> -> memref<1x5008xi32, #tpu.memory_space<hbm>>
      %dma_wait3A_36 = tpu.memref_squeeze %dma_wait3A_35 : memref<1x5008xi32, #tpu.memory_space<hbm>> -> memref<5008xi32, #tpu.memory_space<hbm>>
      %dma_wait3A_37 = arith.constant 0 : i32
      %dma_wait3A_38 = tpu.memref_slice %arg2[%add3A, %dma_wait3A_37] : memref<32x5008xi32, #tpu.memory_space<hbm>> -> memref<1x5008xi32, #tpu.memory_space<hbm>>
      %dma_wait3A_39 = tpu.memref_squeeze %dma_wait3A_38 : memref<1x5008xi32, #tpu.memory_space<hbm>> -> memref<5008xi32, #tpu.memory_space<hbm>>
      tpu.wait_dma2 semaphore(%run_scoped3A : memref<!tpu.dma_semaphore, #tpu.memory_space<semaphore_mem>>) src(%dma_wait3A_39 : memref<5008xi32, #tpu.memory_space<hbm>>) dst(%arg8 : memref<5008xi32, #tpu.memory_space<vmem>>)
      tpu.yield
    }) : () -> ()
    "tpu.region"() ({
      %run_scoped3A = tpu.sem_alloc : memref<!tpu.dma_semaphore, #tpu.memory_space<semaphore_mem>>
      %dma_start3A = arith.constant 0 : i32
      %dma_start3A_30 = tpu.memref_slice %arg3[%add3A, %dma_start3A] : memref<32x5008xi32, #tpu.memory_space<hbm>> -> memref<1x5008xi32, #tpu.memory_space<hbm>>
      %dma_start3A_31 = tpu.memref_squeeze %dma_start3A_30 : memref<1x5008xi32, #tpu.memory_space<hbm>> -> memref<5008xi32, #tpu.memory_space<hbm>>
      %dma_start3A_32 = arith.constant 0 : i32
      %dma_start3A_33 = tpu.memref_slice %arg3[%add3A, %dma_start3A_32] : memref<32x5008xi32, #tpu.memory_space<hbm>> -> memref<1x5008xi32, #tpu.memory_space<hbm>>
      %dma_start3A_34 = tpu.memref_squeeze %dma_start3A_33 : memref<1x5008xi32, #tpu.memory_space<hbm>> -> memref<5008xi32, #tpu.memory_space<hbm>>
      tpu.enqueue_dma source(%dma_start3A_34 : memref<5008xi32, #tpu.memory_space<hbm>>) target(%arg9 : memref<5008xi32, #tpu.memory_space<vmem>>) target_semaphore(%run_scoped3A : memref<!tpu.dma_semaphore, #tpu.memory_space<semaphore_mem>>)
      %dma_wait3A = arith.constant 0 : i32
      %dma_wait3A_35 = tpu.memref_slice %arg3[%add3A, %dma_wait3A] : memref<32x5008xi32, #tpu.memory_space<hbm>> -> memref<1x5008xi32, #tpu.memory_space<hbm>>
      %dma_wait3A_36 = tpu.memref_squeeze %dma_wait3A_35 : memref<1x5008xi32, #tpu.memory_space<hbm>> -> memref<5008xi32, #tpu.memory_space<hbm>>
      %dma_wait3A_37 = arith.constant 0 : i32
      %dma_wait3A_38 = tpu.memref_slice %arg3[%add3A, %dma_wait3A_37] : memref<32x5008xi32, #tpu.memory_space<hbm>> -> memref<1x5008xi32, #tpu.memory_space<hbm>>
      %dma_wait3A_39 = tpu.memref_squeeze %dma_wait3A_38 : memref<1x5008xi32, #tpu.memory_space<hbm>> -> memref<5008xi32, #tpu.memory_space<hbm>>
      tpu.wait_dma2 semaphore(%run_scoped3A : memref<!tpu.dma_semaphore, #tpu.memory_space<semaphore_mem>>) src(%dma_wait3A_39 : memref<5008xi32, #tpu.memory_space<hbm>>) dst(%arg9 : memref<5008xi32, #tpu.memory_space<vmem>>)
      tpu.yield
    }) : () -> ()
    "tpu.region"() ({
      %run_scoped3A = tpu.sem_alloc : memref<!tpu.dma_semaphore, #tpu.memory_space<semaphore_mem>>
      %dma_start3A = arith.constant 0 : i32
      %dma_start3A_30 = tpu.memref_slice %arg4[%add3A, %dma_start3A] : memref<32x5008xf32, #tpu.memory_space<hbm>> -> memref<1x5008xf32, #tpu.memory_space<hbm>>
      %dma_start3A_31 = tpu.memref_squeeze %dma_start3A_30 : memref<1x5008xf32, #tpu.memory_space<hbm>> -> memref<5008xf32, #tpu.memory_space<hbm>>
      %dma_start3A_32 = arith.constant 0 : i32
      %dma_start3A_33 = tpu.memref_slice %arg4[%add3A, %dma_start3A_32] : memref<32x5008xf32, #tpu.memory_space<hbm>> -> memref<1x5008xf32, #tpu.memory_space<hbm>>
      %dma_start3A_34 = tpu.memref_squeeze %dma_start3A_33 : memref<1x5008xf32, #tpu.memory_space<hbm>> -> memref<5008xf32, #tpu.memory_space<hbm>>
      tpu.enqueue_dma source(%dma_start3A_34 : memref<5008xf32, #tpu.memory_space<hbm>>) target(%arg10 : memref<5008xf32, #tpu.memory_space<vmem>>) target_semaphore(%run_scoped3A : memref<!tpu.dma_semaphore, #tpu.memory_space<semaphore_mem>>)
      %dma_wait3A = arith.constant 0 : i32
      %dma_wait3A_35 = tpu.memref_slice %arg4[%add3A, %dma_wait3A] : memref<32x5008xf32, #tpu.memory_space<hbm>> -> memref<1x5008xf32, #tpu.memory_space<hbm>>
      %dma_wait3A_36 = tpu.memref_squeeze %dma_wait3A_35 : memref<1x5008xf32, #tpu.memory_space<hbm>> -> memref<5008xf32, #tpu.memory_space<hbm>>
      %dma_wait3A_37 = arith.constant 0 : i32
      %dma_wait3A_38 = tpu.memref_slice %arg4[%add3A, %dma_wait3A_37] : memref<32x5008xf32, #tpu.memory_space<hbm>> -> memref<1x5008xf32, #tpu.memory_space<hbm>>
      %dma_wait3A_39 = tpu.memref_squeeze %dma_wait3A_38 : memref<1x5008xf32, #tpu.memory_space<hbm>> -> memref<5008xf32, #tpu.memory_space<hbm>>
      tpu.wait_dma2 semaphore(%run_scoped3A : memref<!tpu.dma_semaphore, #tpu.memory_space<semaphore_mem>>) src(%dma_wait3A_39 : memref<5008xf32, #tpu.memory_space<hbm>>) dst(%arg10 : memref<5008xf32, #tpu.memory_space<vmem>>)
      tpu.yield
    }) : () -> ()
    %iota3A = tpu.iota {dimensions = array<i32: 0>} : vector<16xi32>
    %broadcast_in_dim3A = arith.constant 0.000000e+00 : f32
    %broadcast_in_dim3A_1 = vector.broadcast %broadcast_in_dim3A : f32 to vector<16xf32>
    %scan3A = arith.constant 0 : i32
    %scan3A_2 = arith.constant 176 : i32
    %scan3A_3 = arith.addi %scan3A, %scan3A_2 : i32
    %scan3A_4 = arith.constant 1 : i32
    scf.for %scan3A_30 = %scan3A to %scan3A_3 step %scan3A_4  : i32 {
      %mul3A_31 = arith.constant 1 : i32
      %mul3A_32 = arith.muli %scan3A_30, %mul3A_31 : i32
      %add3A_33 = arith.constant 0 : i32
      %add3A_34 = arith.addi %add3A_33, %mul3A_32 : i32
      %mul3A_35 = arith.constant 16 : i32
      %mul3A_36 = arith.muli %add3A_34, %mul3A_35 : i32
      %add3A_37 = vector.broadcast %mul3A_36 : i32 to vector<16xi32>
      %add3A_38 = arith.addi %add3A_37, %iota3A : vector<16xi32>
      %and3A = arith.constant 2047 : i32
      %and3A_39 = vector.broadcast %and3A : i32 to vector<16xi32>
      %and3A_40 = arith.andi %add3A_38, %and3A_39 : vector<16xi32>
      %mul3A_41 = arith.constant 16 : i32
      %mul3A_42 = arith.muli %add3A_34, %mul3A_41 : i32
      %add3A_43 = vector.broadcast %mul3A_42 : i32 to vector<16xi32>
      %add3A_44 = arith.addi %add3A_43, %iota3A : vector<16xi32>
      %and3A_45 = arith.constant 8191 : i32
      %and3A_46 = vector.broadcast %and3A_45 : i32 to vector<16xi32>
      %and3A_47 = arith.andi %add3A_44, %and3A_46 : vector<16xi32>
      %mul3A_48 = arith.constant 16 : i32
      %mul3A_49 = arith.muli %add3A_34, %mul3A_48 : i32
      %add3A_50 = arith.constant 0 : i32
      %add3A_51 = arith.addi %add3A_50, %mul3A_49 : i32
      %swap3A = arith.index_cast %add3A_51 : i32 to index
      %swap3A_52 = tpu.vector_load %arg11[%swap3A] {strides = array<i32>} : memref<5664xi32, #tpu.memory_space<vmem>>, vector<16xi32>,
      tpu.vector_store %arg11[%swap3A], %and3A_40 {strides = array<i32>} : memref<5664xi32, #tpu.memory_space<vmem>>, vector<16xi32>,
      %swap3A_53 = arith.index_cast %add3A_51 : i32 to index
      %swap3A_54 = tpu.vector_load %arg12[%swap3A_53] {strides = array<i32>} : memref<5664xi32, #tpu.memory_space<vmem>>, vector<16xi32>,
      tpu.vector_store %arg12[%swap3A_53], %and3A_47 {strides = array<i32>} : memref<5664xi32, #tpu.memory_space<vmem>>, vector<16xi32>,
      %swap3A_55 = arith.index_cast %add3A_51 : i32 to index
      %swap3A_56 = tpu.vector_load %arg13[%swap3A_55] {strides = array<i32>} : memref<5664xf32, #tpu.memory_space<vmem>>, vector<16xf32>,
      tpu.vector_store %arg13[%swap3A_55], %broadcast_in_dim3A_1 {strides = array<i32>} : memref<5664xf32, #tpu.memory_space<vmem>>, vector<16xf32>,
      %mul3A_57 = arith.constant 16 : i32
      %mul3A_58 = arith.muli %add3A_34, %mul3A_57 : i32
      %add3A_59 = arith.constant 2832 : i32
      %add3A_60 = arith.addi %add3A_59, %mul3A_58 : i32
      %swap3A_61 = arith.index_cast %add3A_60 : i32 to index
      %swap3A_62 = tpu.vector_load %arg11[%swap3A_61] {strides = array<i32>} : memref<5664xi32, #tpu.memory_space<vmem>>, vector<16xi32>,
      tpu.vector_store %arg11[%swap3A_61], %and3A_40 {strides = array<i32>} : memref<5664xi32, #tpu.memory_space<vmem>>, vector<16xi32>,
      %swap3A_63 = arith.index_cast %add3A_60 : i32 to index
      %swap3A_64 = tpu.vector_load %arg12[%swap3A_63] {strides = array<i32>} : memref<5664xi32, #tpu.memory_space<vmem>>, vector<16xi32>,
      tpu.vector_store %arg12[%swap3A_63], %and3A_47 {strides = array<i32>} : memref<5664xi32, #tpu.memory_space<vmem>>, vector<16xi32>,
      %swap3A_65 = arith.index_cast %add3A_60 : i32 to index
      %swap3A_66 = tpu.vector_load %arg13[%swap3A_65] {strides = array<i32>} : memref<5664xf32, #tpu.memory_space<vmem>>, vector<16xf32>,
      tpu.vector_store %arg13[%swap3A_65], %broadcast_in_dim3A_1 {strides = array<i32>} : memref<5664xf32, #tpu.memory_space<vmem>>, vector<16xf32>,
    }
    %scan3A_5 = arith.constant 176 : i32
    %scan3A_6 = arith.constant 0 : i32
    %scan3A_7 = arith.constant 0 : i32
    %scan3A_8 = arith.constant 0 : i32
    %scan3A_9 = arith.constant 313 : i32
    %scan3A_10 = arith.addi %scan3A_8, %scan3A_9 : i32
    %scan3A_11 = arith.constant 1 : i32
    %scan3A_12:2 = scf.for %scan3A_30 = %scan3A_8 to %scan3A_10 step %scan3A_11 iter_args(%scan3A_31 = %scan3A_6, %scan3A_32 = %scan3A_7) -> (i32, i32)  : i32 {
      %mul3A_33 = arith.constant 1 : i32
      %mul3A_34 = arith.muli %scan3A_30, %mul3A_33 : i32
      %add3A_35 = arith.constant 0 : i32
      %add3A_36 = arith.addi %add3A_35, %mul3A_34 : i32
      %mul3A_37 = arith.constant 16 : i32
      %mul3A_38 = arith.muli %add3A_36, %mul3A_37 : i32
      %get3A = arith.index_cast %mul3A_38 : i32 to index
      %get3A_39 = tpu.vector_load %arg8[%get3A] {strides = array<i32>} : memref<5008xi32, #tpu.memory_space<vmem>>, vector<16xi32>,
      %get3A_40 = arith.index_cast %mul3A_38 : i32 to index
      %get3A_41 = tpu.vector_load %arg9[%get3A_40] {strides = array<i32>} : memref<5008xi32, #tpu.memory_space<vmem>>, vector<16xi32>,
      %get3A_42 = arith.index_cast %mul3A_38 : i32 to index
      %get3A_43 = tpu.vector_load %arg10[%get3A_42] {strides = array<i32>} : memref<5008xf32, #tpu.memory_space<vmem>>, vector<16xf32>,
      %ge3A = arith.constant 5000 : i32
      %ge3A_44 = vector.broadcast %ge3A : i32 to vector<16xi32>
      %ge3A_45 = arith.cmpi sge, %get3A_39, %ge3A_44 : vector<16xi32>
      %not3A = arith.constant dense<true> : vector<16xi1>
      %not3A_46 = arith.xori %ge3A_45, %not3A : vector<16xi1>
      %all_reduce_population_count3A = tpu.all_reduce %not3A_46 {dim = 0 : i64, kind = #tpu.reduction_kind<sum>} : vector<16xi1> -> vector<16xi32>
      %slice3A = vector.extract_strided_slice %all_reduce_population_count3A {offsets = [0], sizes = [1], strides = [1]} : vector<16xi32> to vector<1xi32>
      %squeeze3A = vector.extract %slice3A[0] : i32 from vector<1xi32>
      %swap3A = arith.index_cast %scan3A_31 : i32 to index
      %swap3A_47 = tpu.vector_load %arg11[%swap3A] masked %not3A_46 {strides = array<i32>} : memref<5664xi32, #tpu.memory_space<vmem>>, vector<16xi32>, vector<16xi1>
      tpu.vector_store %arg11[%swap3A], %get3A_39 masked %not3A_46 {strides = array<i32>} : memref<5664xi32, #tpu.memory_space<vmem>>, vector<16xi32>, vector<16xi1>
      %swap3A_48 = arith.index_cast %scan3A_31 : i32 to index
      %swap3A_49 = tpu.vector_load %arg12[%swap3A_48] masked %not3A_46 {strides = array<i32>} : memref<5664xi32, #tpu.memory_space<vmem>>, vector<16xi32>, vector<16xi1>
      tpu.vector_store %arg12[%swap3A_48], %get3A_41 masked %not3A_46 {strides = array<i32>} : memref<5664xi32, #tpu.memory_space<vmem>>, vector<16xi32>, vector<16xi1>
      %swap3A_50 = arith.index_cast %scan3A_31 : i32 to index
      %swap3A_51 = tpu.vector_load %arg13[%swap3A_50] masked %not3A_46 {strides = array<i32>} : memref<5664xf32, #tpu.memory_space<vmem>>, vector<16xf32>, vector<16xi1>
      tpu.vector_store %arg13[%swap3A_50], %get3A_43 masked %not3A_46 {strides = array<i32>} : memref<5664xf32, #tpu.memory_space<vmem>>, vector<16xf32>, vector<16xi1>
      %add3A_52 = arith.constant 2832 : i32
      %add3A_53 = arith.addi %add3A_52, %scan3A_32 : i32
      %sub3A = arith.constant 5000 : i32
      %sub3A_54 = vector.broadcast %sub3A : i32 to vector<16xi32>
      %sub3A_55 = arith.subi %get3A_39, %sub3A_54 : vector<16xi32>
      %swap3A_56 = arith.index_cast %add3A_53 : i32 to index
      %swap3A_57 = tpu.vector_load %arg11[%swap3A_56] masked %ge3A_45 {strides = array<i32>} : memref<5664xi32, #tpu.memory_space<vmem>>, vector<16xi32>, vector<16xi1>
      tpu.vector_store %arg11[%swap3A_56], %sub3A_55 masked %ge3A_45 {strides = array<i32>} : memref<5664xi32, #tpu.memory_space<vmem>>, vector<16xi32>, vector<16xi1>
      %add3A_58 = arith.constant 2832 : i32
      %add3A_59 = arith.addi %add3A_58, %scan3A_32 : i32
      %swap3A_60 = arith.index_cast %add3A_59 : i32 to index
      %swap3A_61 = tpu.vector_load %arg12[%swap3A_60] masked %ge3A_45 {strides = array<i32>} : memref<5664xi32, #tpu.memory_space<vmem>>, vector<16xi32>, vector<16xi1>
      tpu.vector_store %arg12[%swap3A_60], %get3A_41 masked %ge3A_45 {strides = array<i32>} : memref<5664xi32, #tpu.memory_space<vmem>>, vector<16xi32>, vector<16xi1>
      %add3A_62 = arith.constant 2832 : i32
      %add3A_63 = arith.addi %add3A_62, %scan3A_32 : i32
      %swap3A_64 = arith.index_cast %add3A_63 : i32 to index
      %swap3A_65 = tpu.vector_load %arg13[%swap3A_64] masked %ge3A_45 {strides = array<i32>} : memref<5664xf32, #tpu.memory_space<vmem>>, vector<16xf32>, vector<16xi1>
      tpu.vector_store %arg13[%swap3A_64], %get3A_43 masked %ge3A_45 {strides = array<i32>} : memref<5664xf32, #tpu.memory_space<vmem>>, vector<16xf32>, vector<16xi1>
      %add3A_66 = arith.addi %scan3A_31, %squeeze3A : i32
      %sub3A_67 = arith.constant 16 : i32
      %sub3A_68 = arith.subi %sub3A_67, %squeeze3A : i32
      %add3A_69 = arith.addi %scan3A_32, %sub3A_68 : i32
      scf.yield %add3A_66, %add3A_69 : i32, i32
    }
    %scan3A_13 = arith.constant 313 : i32
    %add3A_14 = arith.constant 0 : i32
    %add3A_15 = arith.addi %add3A_14, %add3A : i32
    %mul3A_16 = arith.constant 2752 : i32
    %mul3A_17 = arith.muli %add3A_15, %mul3A_16 : i32
    "tpu.region"() ({
      %run_scoped3A = tpu.sem_alloc : memref<!tpu.dma_semaphore, #tpu.memory_space<semaphore_mem>>
      %dma_start3A = arith.constant 0 : i32
      %dma_start3A_30 = tpu.memref_slice %arg11[%dma_start3A] : memref<5664xi32, #tpu.memory_space<vmem>> -> memref<2752xi32, #tpu.memory_space<vmem>>
      %dma_start3A_31 = tpu.memref_slice %arg5[%mul3A_17] : memref<176128xi32, #tpu.memory_space<hbm>> -> memref<2752xi32, #tpu.memory_space<hbm>>
      %dma_start3A_32 = tpu.memref_slice %arg5[%mul3A_17] : memref<176128xi32, #tpu.memory_space<hbm>> -> memref<2752xi32, #tpu.memory_space<hbm>>
      %dma_start3A_33 = arith.constant 0 : i32
      %dma_start3A_34 = tpu.memref_slice %arg11[%dma_start3A_33] : memref<5664xi32, #tpu.memory_space<vmem>> -> memref<2752xi32, #tpu.memory_space<vmem>>
      tpu.enqueue_dma source(%dma_start3A_34 : memref<2752xi32, #tpu.memory_space<vmem>>) target(%dma_start3A_32 : memref<2752xi32, #tpu.memory_space<hbm>>) target_semaphore(%run_scoped3A : memref<!tpu.dma_semaphore, #tpu.memory_space<semaphore_mem>>)
      %dma_wait3A = arith.constant 0 : i32
      %dma_wait3A_35 = tpu.memref_slice %arg11[%dma_wait3A] : memref<5664xi32, #tpu.memory_space<vmem>> -> memref<2752xi32, #tpu.memory_space<vmem>>
      %dma_wait3A_36 = tpu.memref_slice %arg5[%mul3A_17] : memref<176128xi32, #tpu.memory_space<hbm>> -> memref<2752xi32, #tpu.memory_space<hbm>>
      %dma_wait3A_37 = tpu.memref_slice %arg5[%mul3A_17] : memref<176128xi32, #tpu.memory_space<hbm>> -> memref<2752xi32, #tpu.memory_space<hbm>>
      %dma_wait3A_38 = arith.constant 0 : i32
      %dma_wait3A_39 = tpu.memref_slice %arg11[%dma_wait3A_38] : memref<5664xi32, #tpu.memory_space<vmem>> -> memref<2752xi32, #tpu.memory_space<vmem>>
      tpu.wait_dma2 semaphore(%run_scoped3A : memref<!tpu.dma_semaphore, #tpu.memory_space<semaphore_mem>>) src(%dma_wait3A_39 : memref<2752xi32, #tpu.memory_space<vmem>>) dst(%dma_wait3A_37 : memref<2752xi32, #tpu.memory_space<hbm>>)
      tpu.yield
    }) : () -> ()
    %mul3A_18 = arith.constant 2752 : i32
    %mul3A_19 = arith.muli %add3A_15, %mul3A_18 : i32
    "tpu.region"() ({
      %run_scoped3A = tpu.sem_alloc : memref<!tpu.dma_semaphore, #tpu.memory_space<semaphore_mem>>
      %dma_start3A = arith.constant 0 : i32
      %dma_start3A_30 = tpu.memref_slice %arg12[%dma_start3A] : memref<5664xi32, #tpu.memory_space<vmem>> -> memref<2752xi32, #tpu.memory_space<vmem>>
      %dma_start3A_31 = tpu.memref_slice %arg6[%mul3A_19] : memref<176128xi32, #tpu.memory_space<hbm>> -> memref<2752xi32, #tpu.memory_space<hbm>>
      %dma_start3A_32 = tpu.memref_slice %arg6[%mul3A_19] : memref<176128xi32, #tpu.memory_space<hbm>> -> memref<2752xi32, #tpu.memory_space<hbm>>
      %dma_start3A_33 = arith.constant 0 : i32
      %dma_start3A_34 = tpu.memref_slice %arg12[%dma_start3A_33] : memref<5664xi32, #tpu.memory_space<vmem>> -> memref<2752xi32, #tpu.memory_space<vmem>>
      tpu.enqueue_dma source(%dma_start3A_34 : memref<2752xi32, #tpu.memory_space<vmem>>) target(%dma_start3A_32 : memref<2752xi32, #tpu.memory_space<hbm>>) target_semaphore(%run_scoped3A : memref<!tpu.dma_semaphore, #tpu.memory_space<semaphore_mem>>)
      %dma_wait3A = arith.constant 0 : i32
      %dma_wait3A_35 = tpu.memref_slice %arg12[%dma_wait3A] : memref<5664xi32, #tpu.memory_space<vmem>> -> memref<2752xi32, #tpu.memory_space<vmem>>
      %dma_wait3A_36 = tpu.memref_slice %arg6[%mul3A_19] : memref<176128xi32, #tpu.memory_space<hbm>> -> memref<2752xi32, #tpu.memory_space<hbm>>
      %dma_wait3A_37 = tpu.memref_slice %arg6[%mul3A_19] : memref<176128xi32, #tpu.memory_space<hbm>> -> memref<2752xi32, #tpu.memory_space<hbm>>
      %dma_wait3A_38 = arith.constant 0 : i32
      %dma_wait3A_39 = tpu.memref_slice %arg12[%dma_wait3A_38] : memref<5664xi32, #tpu.memory_space<vmem>> -> memref<2752xi32, #tpu.memory_space<vmem>>
      tpu.wait_dma2 semaphore(%run_scoped3A : memref<!tpu.dma_semaphore, #tpu.memory_space<semaphore_mem>>) src(%dma_wait3A_39 : memref<2752xi32, #tpu.memory_space<vmem>>) dst(%dma_wait3A_37 : memref<2752xi32, #tpu.memory_space<hbm>>)
      tpu.yield
    }) : () -> ()
    %mul3A_20 = arith.constant 2752 : i32
    %mul3A_21 = arith.muli %add3A_15, %mul3A_20 : i32
    "tpu.region"() ({
      %run_scoped3A = tpu.sem_alloc : memref<!tpu.dma_semaphore, #tpu.memory_space<semaphore_mem>>
      %dma_start3A = arith.constant 0 : i32
      %dma_start3A_30 = tpu.memref_slice %arg13[%dma_start3A] : memref<5664xf32, #tpu.memory_space<vmem>> -> memref<2752xf32, #tpu.memory_space<vmem>>
      %dma_start3A_31 = tpu.memref_slice %arg7[%mul3A_21] : memref<176128xf32, #tpu.memory_space<hbm>> -> memref<2752xf32, #tpu.memory_space<hbm>>
      %dma_start3A_32 = tpu.memref_slice %arg7[%mul3A_21] : memref<176128xf32, #tpu.memory_space<hbm>> -> memref<2752xf32, #tpu.memory_space<hbm>>
      %dma_start3A_33 = arith.constant 0 : i32
      %dma_start3A_34 = tpu.memref_slice %arg13[%dma_start3A_33] : memref<5664xf32, #tpu.memory_space<vmem>> -> memref<2752xf32, #tpu.memory_space<vmem>>
      tpu.enqueue_dma source(%dma_start3A_34 : memref<2752xf32, #tpu.memory_space<vmem>>) target(%dma_start3A_32 : memref<2752xf32, #tpu.memory_space<hbm>>) target_semaphore(%run_scoped3A : memref<!tpu.dma_semaphore, #tpu.memory_space<semaphore_mem>>)
      %dma_wait3A = arith.constant 0 : i32
      %dma_wait3A_35 = tpu.memref_slice %arg13[%dma_wait3A] : memref<5664xf32, #tpu.memory_space<vmem>> -> memref<2752xf32, #tpu.memory_space<vmem>>
      %dma_wait3A_36 = tpu.memref_slice %arg7[%mul3A_21] : memref<176128xf32, #tpu.memory_space<hbm>> -> memref<2752xf32, #tpu.memory_space<hbm>>
      %dma_wait3A_37 = tpu.memref_slice %arg7[%mul3A_21] : memref<176128xf32, #tpu.memory_space<hbm>> -> memref<2752xf32, #tpu.memory_space<hbm>>
      %dma_wait3A_38 = arith.constant 0 : i32
      %dma_wait3A_39 = tpu.memref_slice %arg13[%dma_wait3A_38] : memref<5664xf32, #tpu.memory_space<vmem>> -> memref<2752xf32, #tpu.memory_space<vmem>>
      tpu.wait_dma2 semaphore(%run_scoped3A : memref<!tpu.dma_semaphore, #tpu.memory_space<semaphore_mem>>) src(%dma_wait3A_39 : memref<2752xf32, #tpu.memory_space<vmem>>) dst(%dma_wait3A_37 : memref<2752xf32, #tpu.memory_space<hbm>>)
      tpu.yield
    }) : () -> ()
    %add3A_22 = arith.constant 32 : i32
    %add3A_23 = arith.addi %add3A_22, %add3A : i32
    %mul3A_24 = arith.constant 2752 : i32
    %mul3A_25 = arith.muli %add3A_23, %mul3A_24 : i32
    "tpu.region"() ({
      %run_scoped3A = tpu.sem_alloc : memref<!tpu.dma_semaphore, #tpu.memory_space<semaphore_mem>>
      %dma_start3A = arith.constant 2832 : i32
      %dma_start3A_30 = tpu.memref_slice %arg11[%dma_start3A] : memref<5664xi32, #tpu.memory_space<vmem>> -> memref<2752xi32, #tpu.memory_space<vmem>>
      %dma_start3A_31 = tpu.memref_slice %arg5[%mul3A_25] : memref<176128xi32, #tpu.memory_space<hbm>> -> memref<2752xi32, #tpu.memory_space<hbm>>
      %dma_start3A_32 = tpu.memref_slice %arg5[%mul3A_25] : memref<176128xi32, #tpu.memory_space<hbm>> -> memref<2752xi32, #tpu.memory_space<hbm>>
      %dma_start3A_33 = arith.constant 2832 : i32
      %dma_start3A_34 = tpu.memref_slice %arg11[%dma_start3A_33] : memref<5664xi32, #tpu.memory_space<vmem>> -> memref<2752xi32, #tpu.memory_space<vmem>>
      tpu.enqueue_dma source(%dma_start3A_34 : memref<2752xi32, #tpu.memory_space<vmem>>) target(%dma_start3A_32 : memref<2752xi32, #tpu.memory_space<hbm>>) target_semaphore(%run_scoped3A : memref<!tpu.dma_semaphore, #tpu.memory_space<semaphore_mem>>)
      %dma_wait3A = arith.constant 2832 : i32
      %dma_wait3A_35 = tpu.memref_slice %arg11[%dma_wait3A] : memref<5664xi32, #tpu.memory_space<vmem>> -> memref<2752xi32, #tpu.memory_space<vmem>>
      %dma_wait3A_36 = tpu.memref_slice %arg5[%mul3A_25] : memref<176128xi32, #tpu.memory_space<hbm>> -> memref<2752xi32, #tpu.memory_space<hbm>>
      %dma_wait3A_37 = tpu.memref_slice %arg5[%mul3A_25] : memref<176128xi32, #tpu.memory_space<hbm>> -> memref<2752xi32, #tpu.memory_space<hbm>>
      %dma_wait3A_38 = arith.constant 2832 : i32
      %dma_wait3A_39 = tpu.memref_slice %arg11[%dma_wait3A_38] : memref<5664xi32, #tpu.memory_space<vmem>> -> memref<2752xi32, #tpu.memory_space<vmem>>
      tpu.wait_dma2 semaphore(%run_scoped3A : memref<!tpu.dma_semaphore, #tpu.memory_space<semaphore_mem>>) src(%dma_wait3A_39 : memref<2752xi32, #tpu.memory_space<vmem>>) dst(%dma_wait3A_37 : memref<2752xi32, #tpu.memory_space<hbm>>)
      tpu.yield
    }) : () -> ()
    %mul3A_26 = arith.constant 2752 : i32
    %mul3A_27 = arith.muli %add3A_23, %mul3A_26 : i32
    "tpu.region"() ({
      %run_scoped3A = tpu.sem_alloc : memref<!tpu.dma_semaphore, #tpu.memory_space<semaphore_mem>>
      %dma_start3A = arith.constant 2832 : i32
      %dma_start3A_30 = tpu.memref_slice %arg12[%dma_start3A] : memref<5664xi32, #tpu.memory_space<vmem>> -> memref<2752xi32, #tpu.memory_space<vmem>>
      %dma_start3A_31 = tpu.memref_slice %arg6[%mul3A_27] : memref<176128xi32, #tpu.memory_space<hbm>> -> memref<2752xi32, #tpu.memory_space<hbm>>
      %dma_start3A_32 = tpu.memref_slice %arg6[%mul3A_27] : memref<176128xi32, #tpu.memory_space<hbm>> -> memref<2752xi32, #tpu.memory_space<hbm>>
      %dma_start3A_33 = arith.constant 2832 : i32
      %dma_start3A_34 = tpu.memref_slice %arg12[%dma_start3A_33] : memref<5664xi32, #tpu.memory_space<vmem>> -> memref<2752xi32, #tpu.memory_space<vmem>>
      tpu.enqueue_dma source(%dma_start3A_34 : memref<2752xi32, #tpu.memory_space<vmem>>) target(%dma_start3A_32 : memref<2752xi32, #tpu.memory_space<hbm>>) target_semaphore(%run_scoped3A : memref<!tpu.dma_semaphore, #tpu.memory_space<semaphore_mem>>)
      %dma_wait3A = arith.constant 2832 : i32
      %dma_wait3A_35 = tpu.memref_slice %arg12[%dma_wait3A] : memref<5664xi32, #tpu.memory_space<vmem>> -> memref<2752xi32, #tpu.memory_space<vmem>>
      %dma_wait3A_36 = tpu.memref_slice %arg6[%mul3A_27] : memref<176128xi32, #tpu.memory_space<hbm>> -> memref<2752xi32, #tpu.memory_space<hbm>>
      %dma_wait3A_37 = tpu.memref_slice %arg6[%mul3A_27] : memref<176128xi32, #tpu.memory_space<hbm>> -> memref<2752xi32, #tpu.memory_space<hbm>>
      %dma_wait3A_38 = arith.constant 2832 : i32
      %dma_wait3A_39 = tpu.memref_slice %arg12[%dma_wait3A_38] : memref<5664xi32, #tpu.memory_space<vmem>> -> memref<2752xi32, #tpu.memory_space<vmem>>
      tpu.wait_dma2 semaphore(%run_scoped3A : memref<!tpu.dma_semaphore, #tpu.memory_space<semaphore_mem>>) src(%dma_wait3A_39 : memref<2752xi32, #tpu.memory_space<vmem>>) dst(%dma_wait3A_37 : memref<2752xi32, #tpu.memory_space<hbm>>)
      tpu.yield
    }) : () -> ()
    %mul3A_28 = arith.constant 2752 : i32
    %mul3A_29 = arith.muli %add3A_23, %mul3A_28 : i32
    "tpu.region"() ({
      %run_scoped3A = tpu.sem_alloc : memref<!tpu.dma_semaphore, #tpu.memory_space<semaphore_mem>>
      %dma_start3A = arith.constant 2832 : i32
      %dma_start3A_30 = tpu.memref_slice %arg13[%dma_start3A] : memref<5664xf32, #tpu.memory_space<vmem>> -> memref<2752xf32, #tpu.memory_space<vmem>>
      %dma_start3A_31 = tpu.memref_slice %arg7[%mul3A_29] : memref<176128xf32, #tpu.memory_space<hbm>> -> memref<2752xf32, #tpu.memory_space<hbm>>
      %dma_start3A_32 = tpu.memref_slice %arg7[%mul3A_29] : memref<176128xf32, #tpu.memory_space<hbm>> -> memref<2752xf32, #tpu.memory_space<hbm>>
      %dma_start3A_33 = arith.constant 2832 : i32
      %dma_start3A_34 = tpu.memref_slice %arg13[%dma_start3A_33] : memref<5664xf32, #tpu.memory_space<vmem>> -> memref<2752xf32, #tpu.memory_space<vmem>>
      tpu.enqueue_dma source(%dma_start3A_34 : memref<2752xf32, #tpu.memory_space<vmem>>) target(%dma_start3A_32 : memref<2752xf32, #tpu.memory_space<hbm>>) target_semaphore(%run_scoped3A : memref<!tpu.dma_semaphore, #tpu.memory_space<semaphore_mem>>)
      %dma_wait3A = arith.constant 2832 : i32
      %dma_wait3A_35 = tpu.memref_slice %arg13[%dma_wait3A] : memref<5664xf32, #tpu.memory_space<vmem>> -> memref<2752xf32, #tpu.memory_space<vmem>>
      %dma_wait3A_36 = tpu.memref_slice %arg7[%mul3A_29] : memref<176128xf32, #tpu.memory_space<hbm>> -> memref<2752xf32, #tpu.memory_space<hbm>>
      %dma_wait3A_37 = tpu.memref_slice %arg7[%mul3A_29] : memref<176128xf32, #tpu.memory_space<hbm>> -> memref<2752xf32, #tpu.memory_space<hbm>>
      %dma_wait3A_38 = arith.constant 2832 : i32
      %dma_wait3A_39 = tpu.memref_slice %arg13[%dma_wait3A_38] : memref<5664xf32, #tpu.memory_space<vmem>> -> memref<2752xf32, #tpu.memory_space<vmem>>
      tpu.wait_dma2 semaphore(%run_scoped3A : memref<!tpu.dma_semaphore, #tpu.memory_space<semaphore_mem>>) src(%dma_wait3A_39 : memref<2752xf32, #tpu.memory_space<vmem>>) dst(%dma_wait3A_37 : memref<2752xf32, #tpu.memory_space<hbm>>)
      tpu.yield
    }) : () -> ()
    return
  }
}

</mosaic_0001>

<sc_bundles>
// kernel: _sc_bin.3.cloned.1.call-start
scs
__scs_entry_jumppad:
0x0: {  	(pc) =	sbr.rel $0x88, $3  }
0x1: {  	(tag) =	ssettag $0x0;
	lr =	simm.s32 $0x1  }
0x2: {  	[smem:$0x3F9E] =	sst lr;
	_ =	strace $0xD0000000  }
0x3: {  	_ = 	snop  }
0x4: {  	_ = 	snop  }
0x5: {  	_ = 	snop  }
0x6: {  	_ = 	snop  }
0x7: {  	_ = 	snop  }
__scs_overlays_trampoline_lowered:
0x8: {  	[smem:$0x3FAD] =	sst s0  }
0x9: {  	[smem:$0x3FAE] =	sst s1  }
0xa: {  	[smem:$0x3FAF] =	sst s2  }
0xb: {  	[smem:$0x3FB0] =	sst s3  }
0xc: {  	[smem:$0x3FB1] =	sst s4  }
0xd: {  	[smem:$0x3FB2] =	sst s5  }
0xe: {  	[smem:$0x3FB3] =	sst s6  }
0xf: {  	[smem:$0x3FB4] =	sst s7  }
0x10: {  	[smem:$0x3FB5] =	sst s8  }
0x11: {  	[smem:$0x3FB6] =	sst s9;
	s0 =	simm.s32 @!p0 $0x0  }
0x12: {  	s1 =	sld [smem:$0x3F9C];
	s0 =	simm.s32 @p0 $0x1  }
0x13: {  	[smem:$0x3FB7] =	sst s0;
	s0 =	simm.s32 @!p1 $0x0  }
0x14: {  	s2 =	sld [smem:$0x3F9B];
	s0 =	simm.s32 @p1 $0x1  }
0x15: {  	[smem:$0x3FB8] =	sst s0;
	s0 =	simm.s32 @!p2 $0x0  }
0x16: {  	s3 =	sld [smem:$0x3FDB];
	s0 =	simm.s32 @p2 $0x1  }
0x17: {  	s4 =	simm.s32 $0x1BF5;
	[smem:$0x3FBA] =	sst s0  }
0x18: {  	s0 =	sld [smem:$0x3F9D];
	_ =	swait.ge [sflag:s4], $0x0  }
0x19: {  	s7 =	sld [smem:$0x3F9E]  }
0x1a: {  	s8 =	sadd.s32 $0xFFFFE003, lr  }
0x1b: {  	s9 =	sadd.s32 $0xFFFFFEF7, lr;
	s5 =	simm.s32 $0xFFFFFFFF;
	p2 =	slt.u32 s8, $0xFFFFF086  }
0x1c: {  	p1 =	slt.u32 s9, $0xF7A;
	s5 =	simm.s32 @!p2 $0x0  }
0x1d: {  	s5 =	simm.s32 @p1 $0x1;
	p0 =	seq.s32 s7, s2  }
0x1e: {  	s7 =	smul.u32 @!p0 $0xF7A, s2;
	p2 =	seq.s32 @!p0 s5, $0x0  }
0x1f: {  	s9 =	smul.u32 $0xF7A, s1;
	s8 =	simm.s32 @!p0 $0x1BF5;
	p2 =	por !p2, p0  }
0x20: {  	[sflag:s8] =	ssyncset.s32 @!p0 $0xFFFFF086;
	s6 =	sadd.s32 @!p0 s3, s7;
	s7 =	simm.s32 @!p0 $0x108  }
0x21: {  	s3 =	sadd.s32 s3, s9;
	s6 =	sadd.s32 @!p0 $0x88, s6;
	s7 =	simm.s32 @p2 $0x1082  }
0x22: {  	[simem:s7], [sflag:s8] =	dma.local @!p0 [hbm:s6], $0xF7A  }
0x23: {  	s9 =	sor.u32 $0xD0000000, s2;
	s6 =	simm.s32 $0x108;
	_ =	swait.ge @!p0 [sflag:s8], $0x0  }
0x24: {  	s3 =	sadd.s32 $0x88, s3;
	s6 =	simm.s32 @!p1 $0x1082;
	[sflag:s4] =	ssyncset.s32 $0xFFFFF086  }
0x25: {  	[simem:s6], [sflag:s4] =	dma.local [hbm:s3], $0xF7A  }
0x26: {  	[smem:$0x3F9E] =	sst s1;
	(tag) =	ssettag s2;
	_ =	strace s9  }
0x27: {  	s1 =	sld [smem:$0x3FAE]  }
0x28: {  	s2 =	sld [smem:$0x3FAF]  }
0x29: {  	s4 =	sld [smem:$0x3FB1]  }
0x2a: {  	p0 =	seq.s32 s5, $0x0;
	s5 =	sld [smem:$0x3FB2]  }
0x2b: {  	s6 =	sld [smem:$0x3FB3]  }
0x2c: {  	s7 =	sld [smem:$0x3FB4]  }
0x2d: {  	s3 =	simm.s32 $0x108;
	s8 =	sld [smem:$0x3FB5]  }
0x2e: {  	s3 =	simm.s32 @!p0 $0x1082;
	s9 =	sld [smem:$0x3FB6]  }
0x2f: {  	lr =	sadd.s32 s0, s3;
	s0 =	sld [smem:$0x3FAD]  }
0x30: {  	s3 =	sld [smem:$0x3FB0]  }
0x31: {  	[smem:$0x3FB9] =	sst s10  }
0x32: {  	s10 =	sld [smem:$0x3FB7];
	_ =	sdelay $0x3  }
0x33: {  	p0 =	seq.s32 s10, $0x1;
	s10 =	sld [smem:$0x3FB9];
	_ =	sdelay $0x3  }
0x34: {  	[smem:$0x3FB9] =	sst s10  }
0x35: {  	s10 =	sld [smem:$0x3FB8];
	_ =	sdelay $0x3  }
0x36: {  	p1 =	seq.s32 s10, $0x1;
	s10 =	sld [smem:$0x3FB9];
	_ =	sdelay $0x3  }
0x37: {  	[smem:$0x3FB9] =	sst s10  }
0x38: {  	s10 =	sld [smem:$0x3FBA]  }
0x39: {  	_ = 	snop;
	(pc) =	sbr.ind lr, $3  }
0x3a: {  	_ = 	snop  }
0x3b: {  	_ = 	snop  }
0x3c: {  	p2 =	seq.s32 s10, $0x1;
	s10 =	sld [smem:$0x3FB9]  }
0x3d: {  	_ =	shalt  }
0x3e: {  	_ =	shalt  }
0x3f: {  	_ =	shalt  }
0x40: {  	_ =	shalt  }
0x41: {  	_ =	shalt  }
0x42: {  	_ =	shalt  }
0x43: {  	_ =	shalt  }
0x44: {  	_ =	shalt  }
0x45: {  	_ =	shalt  }
0x46: {  	_ =	shalt  }
0x47: {  	_ =	shalt  }
0x48: {  	_ =	shalt  }
0x49: {  	_ =	shalt  }
0x4a: {  	_ =	shalt  }
0x4b: {  	_ =	shalt  }
0x4c: {  	_ =	shalt  }
0x4d: {  	_ =	shalt  }
0x4e: {  	_ =	shalt  }
0x4f: {  	_ =	shalt  }
0x50: {  	_ =	shalt  }
0x51: {  	_ =	shalt  }
0x52: {  	_ =	shalt  }
0x53: {  	_ =	shalt  }
0x54: {  	_ =	shalt  }
0x55: {  	_ =	shalt  }
0x56: {  	_ =	shalt  }
0x57: {  	_ =	shalt  }
0x58: {  	_ =	shalt  }
0x59: {  	_ =	shalt  }
0x5a: {  	_ =	shalt  }
0x5b: {  	_ =	shalt  }
0x5c: {  	_ =	shalt  }
0x5d: {  	_ =	shalt  }
0x5e: {  	_ =	shalt  }
0x5f: {  	_ =	shalt  }
0x60: {  	_ =	shalt  }
0x61: {  	_ =	shalt  }
0x62: {  	_ =	shalt  }
0x63: {  	_ =	shalt  }
0x64: {  	_ =	shalt  }
0x65: {  	_ =	shalt  }
0x66: {  	_ =	shalt  }
0x67: {  	_ =	shalt  }
0x68: {  	_ =	shalt  }
0x69: {  	_ =	shalt  }
0x6a: {  	_ =	shalt  }
0x6b: {  	_ =	shalt  }
0x6c: {  	_ =	shalt  }
0x6d: {  	_ =	shalt  }
0x6e: {  	_ =	shalt  }
0x6f: {  	_ =	shalt  }
0x70: {  	_ =	shalt  }
0x71: {  	_ =	shalt  }
0x72: {  	_ =	shalt  }
0x73: {  	_ =	shalt  }
0x74: {  	_ =	shalt  }
0x75: {  	_ =	shalt  }
0x76: {  	_ =	shalt  }
0x77: {  	_ =	shalt  }
0x78: {  	_ =	shalt  }
0x79: {  	_ =	shalt  }
0x7a: {  	_ =	shalt  }
0x7b: {  	_ =	shalt  }
0x7c: {  	_ =	shalt  }
0x7d: {  	_ =	shalt  }
0x7e: {  	_ =	shalt  }
0x7f: {  	_ =	shalt  }
0x80: {  	_ =	shalt  }
0x81: {  	_ =	shalt  }
0x82: {  	_ =	shalt  }
0x83: {  	_ =	shalt  }
0x84: {  	_ =	shalt  }
0x85: {  	_ =	shalt  }
0x86: {  	_ =	shalt  }
0x87: {  	_ =	shalt  }
.Lfunc_end0:
.L_simem_size_0:
called_computation_lowered:
.L_overlay_start_0:
0x88: {  	s2 =	sld [smem:$0x3FD9]  }
0x89: {  	s3 =	sld [smem:$0x3FFE];
	_ =	sdelay $0x1  }
0x8a: {  	s1 =	srdreg.scid  }
0x8b: {  	s0 =	sand.u32 $0x1, s1  }
0x8c: {  	s15 =	sshll.u32 s0, $0xA;
	s2 =	sadd.s32 s3, s2  }
0x8d: {  	s2 =	sadd.s32 s2, s15  }
0x8e: {  	[smem:$0x3FC5] =	sst s2  }
0x8f: {  	_ = 	snop  }
0x90: {  	s2 =	sld [smem:$0x3FD0]  }
0x91: {  	s16 =	sld [smem:$0x3FC9]  }
0x92: {  	s4 =	sld [smem:$0x3FC8]  }
0x93: {  	s6 =	simm.s32 $0xA;
	s7 =	simm.s32 $0x10;
	s5 =	sld [smem:$0x3FC7]  }
0x94: {  	[smem:s7], [sflag:s6] =	dma.local [hbm:s2], $0x1  }
0x95: {  	_ =	swait.eq [sflag:s6], $0x1  }
0x96: {  	s17 =	sld [smem:$0x10];
	[sflag:s6] =	ssyncset.done $0x0  }
0x97: {  	s18 =	sld [smem:$0x11];
	[sflag:s6] =	ssyncadd.s32 $0xFFFFFFFF  }
0x98: {  	s19 =	sld [smem:$0x12];
	(tm) =	ssettm $0x1  }
0x99: {  	s8 =	sld [smem:$0x3FFB];
	_ =	sdelay $0x3  }
0x9a: {  	_ =	strace s8  }
0x9b: {  	s8 =	sld [smem:$0x3FFC];
	_ =	sdelay $0x3  }
0x9c: {  	_ =	strace s8  }
0x9d: {  	s8 =	sld [smem:$0x3FFD];
	_ =	sdelay $0x3  }
0x9e: {  	_ =	strace s8  }
0x9f: {  	_ =	strace $0x8FFFFFFF  }
0xa0: {  	s20 =	sld [smem:$0x3FDB];
	_ =	sdelay $0x1  }
0xa1: {  	s9 =	simm.s32 $_scs_section_size  }
0xa2: {  	s10 =	simm.s32 $_size__tile_overlayer_lowered;
	s11 =	simm.s32 $_tile_overlayer_lowered  }
0xa3: {  	s23 =	simm.s32 $0x1BFF;
	s22 =	sshll.u32 s11, $0x1;
	s8 =	sadd.s32 s9, s20  }
0xa4: {  	s12 =	simm.s32 $0x0;
	s21 =	sshll.u32 s10, $0x1;
	s10 =	sadd.s32 s22, s8  }
0xa5: {  	[timem:s12], [sflag:s23] =	dma.local [hbm:s10], s21  }
0xa6: {  	_ =	swait.ge [sflag:s23], s21  }
0xa7: {  	s9 =	ssub.s32 $0x0, s21;
	[sflag:s23] =	ssyncset.done $0x0  }
0xa8: {  	[sflag:s23] =	ssyncadd.s32 s9;
	_ =	sdelay $0x1  }
0xa9: {  	s24 =	simm.s32 $0x1B8B  }
0xaa: {  	_ =	swait.ge [sflag:s24], $0x1  }
0xab: {  	[sflag:s24] =	ssyncset.done $0x0  }
0xac: {  	s25 =	simm.s32 $0x1B8E;
	[sflag:s24] =	ssyncadd.s32 $0xFFFFFFFF  }
0xad: {  	s26 =	simm.s32 $execute0_lowered;
	[smem:$0x3FD2] =	sst s25  }
0xae: {  	s9 =	sshll.u32 s26, $0x1;
	_ =	strace $0x80000046;
	[dreg:$0x1] =	wrdreg $0xFFFFFFFF  }
0xaf: {  	s28 =	simm.s32 $_size_execute0_lowered;
	s8 =	sadd.s32 s8, s9;
	[dreg:$0x0] =	wrdreg $0x0  }
0xb0: {  	s9 =	sshll.u32 s28, $0x1;
	[dreg:$0x2] =	wrdreg s8  }
0xb1: {  	[dreg:$0x3] =	wrdreg s9  }
0xb2: {  	[dreg:$0x4] =	wrdreg $0xC0  }
0xb3: {  	_ =	task [dreg:s12], $0x5FFFF  }
0xb4: {  	[dreg:$0x1] =	wrdreg $0xFFFFFFFF  }
0xb5: {  	[dreg:$0x0] =	wrdreg $0x60  }
0xb6: {  	[dreg:$0x2] =	wrdreg s16  }
0xb7: {  	[dreg:$0x3] =	wrdreg s4  }
0xb8: {  	[dreg:$0x4] =	wrdreg s5  }
0xb9: {  	[dreg:$0x5] =	wrdreg s17  }
0xba: {  	[dreg:$0x6] =	wrdreg s18  }
0xbb: {  	[dreg:$0x7] =	wrdreg s19  }
0xbc: {  	[dreg:$0x8] =	wrdreg $0x9  }
0xbd: {  	_ =	task.clear_ibuf [dreg:s12], $0x9FFFF;
	_ =	strace $0x90000046  }
0xbe: {  	s29 =	simm.s32 $0x9;
	_ =	strace $0x80000048  }
0xbf: {  	_ =	swait.ge [sflag:s29], $0x1  }
0xc0: {  	[sflag:s29] =	ssyncadd.s32 $0xFFFFFFFF  }
0xc1: {  	_ =	strace $0x90000048  }
0xc2: {  	_ =	sfence  }
0xc3: {  	s30 =	sld [smem:$0x0];
	_ =	sdelay $0x2  }
0xc4: {  	s31 =	sshll.u32 s1, $0xD;
	s1 =	sshrl.u32 s1, $0x2  }
0xc5: {  	s3 =	sand.u32 $0x4000, s31;
	s1 =	sadd.s32 s1, s30  }
0xc6: {  	s0 =	sor.u32 s3, s0;
	s1 =	sshll.u32 s1, $0x11  }
0xc7: {  	s0 =	sor.u32 s1, s0  }
0xc8: {  	s0 =	sadd.s32 $0x8F2B, s0  }
0xc9: {  	[sflag:s0] =	ssyncadd.remote.s32 $0x1  }
0xca: {  	_ =	sfence.sel $0xFFFF  }
0xcb: {  	[dreg:$0x0] =	wrdreg $0xFFFFFFFF;
	(pc) =	sbr.abs _section_cstart, $3  }
0xcc: {  	[dreg:$0x1] =	wrdreg $0xFFFFFFFF  }
0xcd: {  	_ =	task.clear_ibuf [dreg:s12], $0x2FFFF;
	_ =	strace $0x9FFFFFFF  }
0xce: {  	(tm) =	ssettm $0x7FFFFFFF  }
0xcf: {  	_ =	shalt  }
tec
execute0_lowered:
.L_overlay_start_1:
0x0: {  	(tag) =	ssettag $0x1  }
0x1: {  	s3 =	rddreg [dreg:$0x0]  }
0x2: {  	s4 =	rddreg [dreg:$0x1]  }
0x3: {  	s5 =	rddreg [dreg:$0x2]  }
0x4: {  	s9 =	rddreg [dreg:$0x3]  }
0x5: {  	s10 =	rddreg [dreg:$0x4]  }
0x6: {  	s0 =	srdreg.scid;
	s11 =	rddreg [dreg:$0x5];
	s2 =	simm.s32 $0x0  }
0x7: {  	s14 =	simm.s32 $0x400;
	s15 =	simm.s32 $0x1;
	s16 =	simm.s32 $0x1400  }
0x8: {  	s17 =	simm.s32 $0x2800;
	s18 =	simm.s32 $0x3C00;
	s19 =	simm.s32 $0x5280  }
0x9: {  	s20 =	simm.s32 $0x6900;
	s21 =	simm.s32 $0x4710;
	s6 =	sand.u32 $0x1, s0  }
0xa: {  	s22 =	simm.s32 $0x5D90;
	s0 =	stileid.u32;
	s1 =	sshll.u32 s6, $0x4  }
0xb: {  	s23 =	simm.s32 $0x7410;
	s24 =	simm.s32 $0x0;
	s7 =	sor.u32 s0, s1  }
0xc: {  	[smem:$0x7FF] =	sst s2;
	s12 =	sshll.u32 s0, $0x7;
	s28 =	smul.u32 $0xAC0, s7  }
0xd: {  	s6 =	ssub.s32 $0x2, s6;
	s8 =	sshrl.u32 s7, $0x3;
	s30 =	smul.u32 $0x158, s7  }
0xe: {  	s1 =	rddreg [dreg:$0x6];
	s13 =	sshrl.u32 s6, $0x1;
	s8 =	smul.u32 $0xA000, s8  }
0xf: {  	_ =	strace $0x80000047;
	s12 =	sand.u32 $0x380, s12;
	s13 =	ssub.s32 s6, s13  }
0x10: {  	s31 =	sshrl.u32 s28, $0x3;
	s6 =	sadd.s32 s9, s30;
	s8 =	sor.u32 s12, s8  }
0x11: {  	s7 =	sadd.s32 s10, s30;
	s12 =	sadd.s32 $0x2B00, s31;
	s29 =	sshrl.u32 s8, $0x3  }
0x12: {  	s8 =	sadd.s32 s11, s30;
	s9 =	sadd.s32 s9, s12;
	s10 =	sadd.s32 s10, s12  }
0x13: {  	s11 =	sadd.s32 s11, s12;
	s12 =	smax.u32 s13, $0x1;
	s13 =	simm.s32 $0x80  }
0x14: {  	v0 =	vlaneseq.u32;
	v1 =	vimm.f32 $0.0e+00;
	s3 =	sadd.s32 s3, s29;
	s4 =	sadd.s32 s4, s29;
	s5 =	sadd.s32 s5, s29  }
.LBB2_1:
0x15: {  	[tilespmem:s2], [sflag:$0x1] =	stream.strided.gather [hbm4b:s3+s13], $0x1400, s14, s13, $0x38;
	[tilespmem:$0x7F80] =	vst v63  }
0x16: {  	_ =	swait.ge [sflag:s15], $0x1400  }
0x17: {  	[sflag:s15] =	ssyncset.done $0x0  }
0x18: {  	[sflag:s15] =	ssyncadd.s32 $0xFFFFEC00  }
0x19: {  	[tilespmem:s16], [sflag:$0x1] =	stream.strided.gather [hbm4b:s4+s13], $0x1400, s14, s13, $0x38;
	[tilespmem:$0x7F80] =	vst v63  }
0x1a: {  	_ =	swait.ge [sflag:s15], $0x1400  }
0x1b: {  	[sflag:s15] =	ssyncset.done $0x0  }
0x1c: {  	[sflag:s15] =	ssyncadd.s32 $0xFFFFEC00  }
0x1d: {  	[tilespmem:s17], [sflag:$0x1] =	stream.strided.gather [hbm4b:s5+s13], $0x1400, s14, s13, $0x38;
	[tilespmem:$0x7F80] =	vst v63  }
0x1e: {  	_ =	swait.ge [sflag:s15], $0x1400  }
0x1f: {  	v2 =	vor.u32 s2, v0;
	[sflag:s15] =	ssyncset.done $0x0  }
0x20: {  	v3 =	vand.u32 $0x7FF, v2;
	[sflag:s15] =	ssyncadd.s32 $0xFFFFEC00  }
0x21: {  	[tilespmem:s21+$0xFFFFF4F0] =	vst v3  }
0x22: {  	[tilespmem:s19+$0x0] =	vst v2  }
0x23: {  	s25 =	simm.s32 $0x10;
	[tilespmem:s20+$0x0] =	vst v1  }
0x24: {  	s26 =	simm.s32 $0x5280;
	s28 =	simm.s32 $0x6900;
	s29 =	simm.s32 $0x4710;
	[tilespmem:s21+$0x0] =	vst v3  }
.LBB2_2:
0x25: {  	[tilespmem:s26+$0xB10] =	vst v2;
	v2 =	vor.u32 s25, v0;
	p0 =	sne.s32 s25, $0xAF0  }
.Ltmp0:
0x26: {  	s29 =	sadd.s32 $0x10, s29;
	v3 =	vand.u32 $0x7FF, v2;
	[tilespmem:s28+$0xB10] =	vst v1;
	(pc) =	sbr.rel @p0 .LBB2_2-.Ltmp0, $4  }
0x27: {  	s26 =	sadd.s32 $0x10, s26;
	[tilespmem:s29+$0xFFFFF4F0] =	vst v3  }
0x28: {  	s28 =	sadd.s32 $0x10, s28;
	[tilespmem:s26+$0x0] =	vst v2  }
0x29: {  	[tilespmem:s28+$0x0] =	vst v1  }
0x2a: {  	s25 =	sadd.s32 $0x10, s25;
	[tilespmem:s29+$0x0] =	vst v3  }
0x2b: {  	[tilespmem:s26+$0xB10] =	vst v2  }
0x2c: {  	s25 =	simm.s32 $0x0;
	[tilespmem:s28+$0xB10] =	vst v1  }
0x2d: {  	v2 =	vld [tilespmem:s25+$0x0];
	_ =	sdelay $0x4  }
0x2e: {  	vm0 =	vle.s32 v2, $0x1387  }
0x2f: {  	v3 =	vld [tilespmem:s25+$0x1400];
	v4 =	vmpcnt.ones.xlane vm0  }
0x30: {  	v5 =	vld [tilespmem:s25+$0x2800]  }
0x31: {  	(v2sf) =	vpush v4, $0x0  }
0x32: {  	s31 =	simm.s32 $0x0  }
0x33: {  	[tilespmem:s31+$0x3C00] =	vst.msk vm0, v2  }
0x34: {  	[tilespmem:s31+$0x5280] =	vst.msk vm0, v3  }
0x35: {  	vm1 =	vgt.s32 v2, $0x1387;
	v2 =	vadd.s32 $0xFFFFEC78, v2;
	[tilespmem:s31+$0x6900] =	vst.msk vm0, v5  }
0x36: {  	[tilespmem:s31+$0x4710] =	vst.msk vm1, v2  }
0x37: {  	[tilespmem:s31+$0x5D90] =	vst.msk vm1, v3  }
0x38: {  	s28 =	simm.s32 $0x10;
	[tilespmem:s31+$0x7410] =	vst.msk vm1, v5  }
0x39: {  	v2 =	vld [tilespmem:s28+$0x0];
	_ =	sdelay $0x4  }
0x3a: {  	vm0 =	vle.s32 v2, $0x1387  }
0x3b: {  	v5 =	vmpcnt.ones.xlane vm0  }
0x3c: {  	v3 =	vld [tilespmem:s28+$0x1400];
	s29 =	spop (v2sf)  }
0x3d: {  	s26 =	simm.s32 $0x80;
	v4 =	vld [tilespmem:s28+$0x2800];
	(v2sf) =	vpush v5, $0x0;
	s25 =	sadd.s32 $0x0, s29;
	s28 =	ssub.s32 $0x0, s29  }
.LBB2_4:
0x3e: {  	p0 =	sne.s32 s26, $0x4E00  }
0x3f: {  	s28 =	sadd.s32 $0x10, s28;
	s29 =	smov.u32 s26;
	s26 =	sadd.s32 $0x40, s26  }
0x40: {  	[tilespmem:s25+$0x3C00] =	vst.msk vm0, v2  }
0x41: {  	[tilespmem:s25+$0x5280] =	vst.msk vm0, v3  }
0x42: {  	vm1 =	vgt.s32 v2, $0x1387;
	v2 =	vadd.s32 $0xFFFFEC78, v2;
	[tilespmem:s25+$0x6900] =	vst.msk vm0, v4  }
0x43: {  	[tilespmem:s28+$0x4710] =	vst.msk vm1, v2  }
0x44: {  	[tilespmem:s28+$0x5D90] =	vst.msk vm1, v3  }
0x45: {  	s29 =	sshra.s32 s29, $0x2;
	[tilespmem:s28+$0x7410] =	vst.msk vm1, v4  }
0x46: {  	v2 =	vld [tilespmem:s29+$0x0];
	_ =	sdelay $0x3  }
.Ltmp1:
0x47: {  	(pc) =	sbr.rel @p0 .LBB2_4-.Ltmp1, $4  }
0x48: {  	vm0 =	vle.s32 v2, $0x1387  }
0x49: {  	v3 =	vld [tilespmem:s29+$0x1400];
	v5 =	vmpcnt.ones.xlane vm0  }
0x4a: {  	v4 =	vld [tilespmem:s29+$0x2800];
	s29 =	spop (v2sf)  }
0x4b: {  	(v2sf) =	vpush v5, $0x0;
	s25 =	sadd.s32 s25, s29;
	s28 =	ssub.s32 s28, s29  }
0x4c: {  	_ =	sdelay $0x6  }
0x4d: {  	[tilespmem:s25+$0x3C00] =	vst.msk vm0, v2  }
0x4e: {  	[tilespmem:s25+$0x5280] =	vst.msk vm0, v3  }
0x4f: {  	s26 =	sadd.s32 $0x10, s28;
	vm1 =	vgt.s32 v2, $0x1387;
	v2 =	vadd.s32 $0xFFFFEC78, v2;
	[tilespmem:s25+$0x6900] =	vst.msk vm0, v4  }
0x50: {  	[tilespmem:s26+$0x4710] =	vst.msk vm1, v2  }
0x51: {  	[tilespmem:s26+$0x5D90] =	vst.msk vm1, v3  }
0x52: {  	[tilespmem:s26+$0x7410] =	vst.msk vm1, v4  }
0x53: {  	[hbm4b:s6+s2] =	stream.linear.scatter [tilespmem:s18], [sflag:$0x1], $0xAC0, $0x38;
	[tilespmem:$0x7F80] =	vst v63  }
0x54: {  	s31 =	spop (v2sf)  }
0x55: {  	_ =	swait.ge [sflag:s15], $0xAC0  }
0x56: {  	[sflag:s15] =	ssyncset.done $0x0  }
0x57: {  	[sflag:s15] =	ssyncadd.s32 $0xFFFFF540  }
0x58: {  	[hbm4b:s7+s2] =	stream.linear.scatter [tilespmem:s19], [sflag:$0x1], $0xAC0, $0x38;
	[tilespmem:$0x7F80] =	vst v63  }
0x59: {  	_ =	swait.ge [sflag:s15], $0xAC0  }
0x5a: {  	[sflag:s15] =	ssyncset.done $0x0  }
0x5b: {  	[sflag:s15] =	ssyncadd.s32 $0xFFFFF540  }
0x5c: {  	[hbm4b:s8+s2] =	stream.linear.scatter [tilespmem:s20], [sflag:$0x1], $0xAC0, $0x38;
	[tilespmem:$0x7F80] =	vst v63  }
0x5d: {  	_ =	swait.ge [sflag:s15], $0xAC0  }
0x5e: {  	[sflag:s15] =	ssyncset.done $0x0  }
0x5f: {  	[sflag:s15] =	ssyncadd.s32 $0xFFFFF540  }
0x60: {  	[hbm4b:s9+s2] =	stream.linear.scatter [tilespmem:s21], [sflag:$0x1], $0xAC0, $0x38;
	[tilespmem:$0x7F80] =	vst v63  }
0x61: {  	_ =	swait.ge [sflag:s15], $0xAC0  }
0x62: {  	[sflag:s15] =	ssyncset.done $0x0  }
0x63: {  	[sflag:s15] =	ssyncadd.s32 $0xFFFFF540  }
0x64: {  	[hbm4b:s10+s2] =	stream.linear.scatter [tilespmem:s22], [sflag:$0x1], $0xAC0, $0x38;
	[tilespmem:$0x7F80] =	vst v63  }
0x65: {  	s24 =	sadd.s32 $0x1, s24;
	_ =	swait.ge [sflag:s15], $0xAC0  }
0x66: {  	p0 =	sne.s32 s24, s12;
	[sflag:s15] =	ssyncset.done $0x0  }
.Ltmp2:
0x67: {  	[sflag:s15] =	ssyncadd.s32 $0xFFFFF540;
	(pc) =	sbr.rel @p0 .LBB2_1-.Ltmp2, $4  }
0x68: {  	[hbm4b:s11+s2] =	stream.linear.scatter [tilespmem:s23], [sflag:$0x1], $0xAC0, $0x38;
	[tilespmem:$0x7F80] =	vst v63  }
0x69: {  	_ =	swait.ge [sflag:s15], $0xAC0  }
0x6a: {  	[sflag:s15] =	ssyncset.done $0x0  }
0x6b: {  	[sflag:s15] =	ssyncadd.s32 $0xFFFFF540  }
0x6c: {  	_ =	sfence.sel $0x180000  }
0x6d: {  	[bflag:$0x0] =	sbarrier.arrive $0xFFFF  }
0x6e: {  	p0 =	sne.s32 s0, $0x0;
	_ =	strace $0x90000047  }
0x6f: {  	s0 =	sadd.s32 @!p0 $0x100000, s1;
	[bflag:$0x2] =	sbarrier.arrive $0xFFFF  }
0x70: {  	[sflag:s0] =	ssyncadd.tile.s32 @!p0 $0x1;
	_ =	shalt  }
.Lfunc_end2:
_tile_overlayer_lowered:
.L_overlay_start_2:
0x71: {  	(tag) =	ssettag $0x2  }
0x72: {  	s0 =	rddreg [dreg:$0x0];
	s2 =	stileid.u32  }
0x73: {  	s1 =	rddreg [dreg:$0x1];
	p0 =	sne.s32 s2, $0x0  }
0x74: {  	s3 =	rddreg [dreg:$0x2];
	[bflag:$0x3] =	sbarrier.arrive $0xFFFF;
	s2 =	simm.s32 @!p0 $0x1C01  }
0x75: {  	[timem:s3], [sflag:s2] =	dma.local @!p0 [hbm:s0], s1  }
0x76: {  	s0 =	simm.s32 @!p0 $0x1  }
0x77: {  	_ =	swait.ge @!p0 [sflag:s0], s1  }
0x78: {  	s1 =	ssub.s32 @!p0 $0x0, s1;
	[sflag:s0] =	ssyncset.done @!p0 $0x0  }
0x79: {  	[sflag:s0] =	ssyncadd.s32 @!p0 s1  }
0x7a: {  	[bflag:$0x3] =	sbarrier.arrive $0xFFFF  }
0x7b: {  	_ =	shalt  }

</sc_bundles>
